<compile_context>
chip_gen: v7x
topology: tpu7x:2x2x1
jax: 0.10.2.dev20260603
libtpu: 0.0.44.dev20260713+nightly
codegen_flags: <defaults>
</compile_context>

<pallas_src>
import functools

import jax
import jax.numpy as jnp
from jax import lax
from jax.experimental import pallas as pl
from jax.experimental.pallas import tpu as pltpu
from jax.experimental.pallas import tpu_sc as plsc

_N_CLS = 1000
_N_ENV = 128
_BATCH = 16384

_info = plsc.get_sparse_core_info()
_NC, _NS = _info.num_cores, _info.num_subcores
_NW = _NC * _NS
_BPW = _BATCH // _NW

_RPT = 64
_LAST_ROW0 = _N_CLS - _RPT

_CH = 128
_NCHUNK = _BPW // _CH


def _softmax_body(x_ref, o_ref):
    x = x_ref[...]
    m = jnp.max(x, axis=-1, keepdims=True)
    e = jnp.exp(x - m)
    o_ref[...] = e * (1.0 / jnp.sum(e, axis=-1, keepdims=True))


def _softmax_table(mat):
    return pl.pallas_call(
        _softmax_body,
        out_shape=jax.ShapeDtypeStruct(mat.shape, mat.dtype),
    )(mat)


_mesh = plsc.VectorSubcoreMesh(core_axis_name="c", subcore_axis_name="s")


@functools.partial(
    pl.kernel,
    mesh=_mesh,
    out_type=jax.ShapeDtypeStruct((_BATCH, _N_ENV), jnp.float32),
    scratch_types=[
        pltpu.VMEM((_BPW,), jnp.int32),
        pltpu.VMEM((_NCHUNK, _CH, _N_ENV), jnp.float32),
        pltpu.VMEM_SHARED((_N_CLS, _N_ENV), jnp.float32),
        pltpu.SemaphoreType.DMA,
        pltpu.SemaphoreType.DMA,
        pltpu.SemaphoreType.DMA,
    ],
)
def _gather_sc(table_hbm, idx_hbm, out_hbm, idx_v, buf, shared, isem, gsem,
               wsem):
    c = lax.axis_index("c")
    s = lax.axis_index("s")
    wid = s * _NC + c
    base = wid * _BPW

    idx_cp = pltpu.async_copy(idx_hbm.at[pl.ds(base, _BPW)], idx_v, isem)

    row0 = jnp.minimum(s * _RPT, _LAST_ROW0)
    pltpu.sync_copy(table_hbm.at[pl.ds(row0, _RPT)],
                    shared.at[pl.ds(row0, _RPT)])
    plsc.subcore_barrier()
    idx_cp.wait()

    gathers = [
        pltpu.async_copy(shared.at[idx_v.at[pl.ds(k * _CH, _CH)]], buf.at[k],
                         gsem)
        for k in range(_NCHUNK)
    ]
    writes = []
    for k in range(_NCHUNK):
        gathers[k].wait()
        writes.append(
            pltpu.async_copy(buf.at[k], out_hbm.at[pl.ds(base + k * _CH, _CH)],
                             wsem))
    for w in writes:
        w.wait()


def kernel(label, partition_matrix):
    sm = _softmax_table(partition_matrix)
    return _gather_sc(sm, label.astype(jnp.int32))

# --- scband reference (transcript-rebuilt; emitter-appended) ---
"""Pipeline reference for scband-partition-35313221107847 (READ-ONLY COPY).

The authoritative reference and input builder live on the scoring server;
editing this copy changes nothing except your own understanding.
"""

import jax, jax.numpy as jnp
import numpy as np

N_CLS = 1000
N_ENV = 128
BATCH = 16384

def setup_inputs(seed: int = 0) -> dict:
    key = jax.random.key(seed)
    k1, k2 = jax.random.split(key)
    label = jax.random.randint(k1, (BATCH,), 0, N_CLS, dtype=jnp.int64 if jax.config.jax_enable_x64 else jnp.int32)
    partition_matrix = jax.random.normal(k2, (N_CLS, N_ENV), dtype=jnp.float32)
    return {"label": label, "partition_matrix": partition_matrix}

def reference(label, partition_matrix):
    # gather rows of the learned partition matrix, then softmax over envs
    gathered = jnp.take(partition_matrix, label, axis=0)  # [B, n_env]
    sample_split = jax.nn.softmax(gathered, axis=-1)
    return sample_split

if __name__ == "__main__":
    import jax
    _d = setup_inputs()
    print(jax.jit(kernel)(*tuple(_d.values())))

</pallas_src>

<mosaic_0001>
#map = affine_map<(d0, d1) -> (0, 0)>
#map1 = affine_map<(d0, d1) -> (0)>
module attributes {stable_mosaic.version = 14 : i64} {
  func.func @_gather_sc(%arg0: i32, %arg1: i32, %arg2: memref<1000x128xf32, #tpu.memory_space<hbm>>, %arg3: memref<16384xi32, #tpu.memory_space<hbm>>, %arg4: memref<16384x128xf32, #tpu.memory_space<hbm>>, %arg5: memref<512xi32, #tpu.memory_space<vmem>>, %arg6: memref<4x128x128xf32, #tpu.memory_space<vmem>>, %arg7: memref<1000x128xf32, #tpu.memory_space<vmem_shared>>, %arg8: memref<!tpu.dma_semaphore, #tpu.memory_space<semaphore_mem>>, %arg9: memref<!tpu.dma_semaphore, #tpu.memory_space<semaphore_mem>>, %arg10: memref<!tpu.dma_semaphore, #tpu.memory_space<semaphore_mem>>) attributes {dimension_semantics = [#tpu.dimension_semantics<core_parallel>, #tpu.dimension_semantics<subcore_parallel>], iteration_bounds = array<i64: 2, 16>, scalar_prefetch = 0 : i64, scratch_operands = 6 : i64, tpu.core_type = #tpu.core_type<sc_vector_subcore>, window_params = [{transform_indices = #map}, {transform_indices = #map1}, {transform_indices = #map}]} {
    %mul3A = arith.constant 2 : i32
    %mul3A_0 = arith.muli %arg1, %mul3A : i32
    %add3A = arith.addi %mul3A_0, %arg0 : i32
    %mul3A_1 = arith.constant 512 : i32
    %mul3A_2 = arith.muli %add3A, %mul3A_1 : i32
    %dma_start3A = tpu.memref_slice %arg3[%mul3A_2] : memref<16384xi32, #tpu.memory_space<hbm>> -> memref<512xi32, #tpu.memory_space<hbm>>
    %dma_start3A_3 = tpu.memref_slice %arg3[%mul3A_2] : memref<16384xi32, #tpu.memory_space<hbm>> -> memref<512xi32, #tpu.memory_space<hbm>>
    tpu.enqueue_dma source(%dma_start3A_3 : memref<512xi32, #tpu.memory_space<hbm>>) target(%arg5 : memref<512xi32, #tpu.memory_space<vmem>>) target_semaphore(%arg8 : memref<!tpu.dma_semaphore, #tpu.memory_space<semaphore_mem>>)
    %mul3A_4 = arith.constant 64 : i32
    %mul3A_5 = arith.muli %arg1, %mul3A_4 : i32
    %min3A = arith.constant 936 : i32
    %min3A_6 = arith.minsi %mul3A_5, %min3A : i32
    "tpu.region"() ({
      %run_scoped3A = tpu.sem_alloc : memref<!tpu.dma_semaphore, #tpu.memory_space<semaphore_mem>>
      %dma_start3A_200 = arith.constant 0 : i32
      %dma_start3A_201 = tpu.memref_slice %arg7[%min3A_6, %dma_start3A_200] : memref<1000x128xf32, #tpu.memory_space<vmem_shared>> -> memref<64x128xf32, #tpu.memory_space<vmem_shared>>
      %dma_start3A_202 = arith.constant 0 : i32
      %dma_start3A_203 = tpu.memref_slice %arg2[%min3A_6, %dma_start3A_202] : memref<1000x128xf32, #tpu.memory_space<hbm>> -> memref<64x128xf32, #tpu.memory_space<hbm>>
      tpu.enqueue_dma source(%dma_start3A_203 : memref<64x128xf32, #tpu.memory_space<hbm>>) target(%dma_start3A_201 : memref<64x128xf32, #tpu.memory_space<vmem_shared>>) target_semaphore(%run_scoped3A : memref<!tpu.dma_semaphore, #tpu.memory_space<semaphore_mem>>)
      %dma_wait3A_204 = arith.constant 0 : i32
      %dma_wait3A_205 = tpu.memref_slice %arg7[%min3A_6, %dma_wait3A_204] : memref<1000x128xf32, #tpu.memory_space<vmem_shared>> -> memref<64x128xf32, #tpu.memory_space<vmem_shared>>
      %dma_wait3A_206 = arith.constant 0 : i32
      %dma_wait3A_207 = tpu.memref_slice %arg2[%min3A_6, %dma_wait3A_206] : memref<1000x128xf32, #tpu.memory_space<hbm>> -> memref<64x128xf32, #tpu.memory_space<hbm>>
      tpu.wait_dma2 semaphore(%run_scoped3A : memref<!tpu.dma_semaphore, #tpu.memory_space<semaphore_mem>>) src(%dma_wait3A_207 : memref<64x128xf32, #tpu.memory_space<hbm>>) dst(%dma_wait3A_205 : memref<64x128xf32, #tpu.memory_space<vmem_shared>>)
      tpu.yield
    }) : () -> ()
    %barrier3A = arith.constant 0 : index
    tpu.barrier barrier_id(%barrier3A)
    %dma_wait3A = tpu.memref_slice %arg3[%mul3A_2] : memref<16384xi32, #tpu.memory_space<hbm>> -> memref<512xi32, #tpu.memory_space<hbm>>
    %dma_wait3A_7 = tpu.memref_slice %arg3[%mul3A_2] : memref<16384xi32, #tpu.memory_space<hbm>> -> memref<512xi32, #tpu.memory_space<hbm>>
    tpu.wait_dma2 semaphore(%arg8 : memref<!tpu.dma_semaphore, #tpu.memory_space<semaphore_mem>>) src(%dma_wait3A_7 : memref<512xi32, #tpu.memory_space<hbm>>) dst(%arg5 : memref<512xi32, #tpu.memory_space<vmem>>)
    %dma_start3A_8 = arith.constant 0 : i32
    %dma_start3A_9 = arith.constant 0 : i32
    %dma_start3A_10 = arith.constant 0 : i32
    %dma_start3A_11 = tpu.memref_slice %arg6[%dma_start3A_8, %dma_start3A_9, %dma_start3A_10] : memref<4x128x128xf32, #tpu.memory_space<vmem>> -> memref<1x128x128xf32, #tpu.memory_space<vmem>>
    %dma_start3A_12 = tpu.memref_squeeze %dma_start3A_11 : memref<1x128x128xf32, #tpu.memory_space<vmem>> -> memref<128x128xf32, #tpu.memory_space<vmem>>
    %dma_start3A_13 = arith.constant 0 : i32
    %dma_start3A_14 = tpu.memref_slice %arg5[%dma_start3A_13] : memref<512xi32, #tpu.memory_space<vmem>> -> memref<128xi32, #tpu.memory_space<vmem>>
    %dma_start3A_15 = arith.constant 0 : i32
    %dma_start3A_16 = arith.constant 0 : i32
    %dma_start3A_17 = tpu.memref_slice %arg7[%dma_start3A_15, %dma_start3A_16] : memref<1000x128xf32, #tpu.memory_space<vmem_shared>> -> memref<1000x128xf32, #tpu.memory_space<vmem_shared>>
    tpu.enqueue_indirect_dma source(%dma_start3A_17 : memref<1000x128xf32, #tpu.memory_space<vmem_shared>>) target(%dma_start3A_12 : memref<128x128xf32, #tpu.memory_space<vmem>>) offsets(%dma_start3A_14 : memref<128xi32, #tpu.memory_space<vmem>>) semaphore(%arg9 : memref<!tpu.dma_semaphore, #tpu.memory_space<semaphore_mem>>)
    %dma_start3A_18 = arith.constant 1 : i32
    %dma_start3A_19 = arith.constant 0 : i32
    %dma_start3A_20 = arith.constant 0 : i32
    %dma_start3A_21 = tpu.memref_slice %arg6[%dma_start3A_18, %dma_start3A_19, %dma_start3A_20] : memref<4x128x128xf32, #tpu.memory_space<vmem>> -> memref<1x128x128xf32, #tpu.memory_space<vmem>>
    %dma_start3A_22 = tpu.memref_squeeze %dma_start3A_21 : memref<1x128x128xf32, #tpu.memory_space<vmem>> -> memref<128x128xf32, #tpu.memory_space<vmem>>
    %dma_start3A_23 = arith.constant 128 : i32
    %dma_start3A_24 = tpu.memref_slice %arg5[%dma_start3A_23] : memref<512xi32, #tpu.memory_space<vmem>> -> memref<128xi32, #tpu.memory_space<vmem>>
    %dma_start3A_25 = arith.constant 0 : i32
    %dma_start3A_26 = arith.constant 0 : i32
    %dma_start3A_27 = tpu.memref_slice %arg7[%dma_start3A_25, %dma_start3A_26] : memref<1000x128xf32, #tpu.memory_space<vmem_shared>> -> memref<1000x128xf32, #tpu.memory_space<vmem_shared>>
    tpu.enqueue_indirect_dma source(%dma_start3A_27 : memref<1000x128xf32, #tpu.memory_space<vmem_shared>>) target(%dma_start3A_22 : memref<128x128xf32, #tpu.memory_space<vmem>>) offsets(%dma_start3A_24 : memref<128xi32, #tpu.memory_space<vmem>>) semaphore(%arg9 : memref<!tpu.dma_semaphore, #tpu.memory_space<semaphore_mem>>)
    %dma_start3A_28 = arith.constant 2 : i32
    %dma_start3A_29 = arith.constant 0 : i32
    %dma_start3A_30 = arith.constant 0 : i32
    %dma_start3A_31 = tpu.memref_slice %arg6[%dma_start3A_28, %dma_start3A_29, %dma_start3A_30] : memref<4x128x128xf32, #tpu.memory_space<vmem>> -> memref<1x128x128xf32, #tpu.memory_space<vmem>>
    %dma_start3A_32 = tpu.memref_squeeze %dma_start3A_31 : memref<1x128x128xf32, #tpu.memory_space<vmem>> -> memref<128x128xf32, #tpu.memory_space<vmem>>
    %dma_start3A_33 = arith.constant 256 : i32
    %dma_start3A_34 = tpu.memref_slice %arg5[%dma_start3A_33] : memref<512xi32, #tpu.memory_space<vmem>> -> memref<128xi32, #tpu.memory_space<vmem>>
    %dma_start3A_35 = arith.constant 0 : i32
    %dma_start3A_36 = arith.constant 0 : i32
    %dma_start3A_37 = tpu.memref_slice %arg7[%dma_start3A_35, %dma_start3A_36] : memref<1000x128xf32, #tpu.memory_space<vmem_shared>> -> memref<1000x128xf32, #tpu.memory_space<vmem_shared>>
    tpu.enqueue_indirect_dma source(%dma_start3A_37 : memref<1000x128xf32, #tpu.memory_space<vmem_shared>>) target(%dma_start3A_32 : memref<128x128xf32, #tpu.memory_space<vmem>>) offsets(%dma_start3A_34 : memref<128xi32, #tpu.memory_space<vmem>>) semaphore(%arg9 : memref<!tpu.dma_semaphore, #tpu.memory_space<semaphore_mem>>)
    %dma_start3A_38 = arith.constant 3 : i32
    %dma_start3A_39 = arith.constant 0 : i32
    %dma_start3A_40 = arith.constant 0 : i32
    %dma_start3A_41 = tpu.memref_slice %arg6[%dma_start3A_38, %dma_start3A_39, %dma_start3A_40] : memref<4x128x128xf32, #tpu.memory_space<vmem>> -> memref<1x128x128xf32, #tpu.memory_space<vmem>>
    %dma_start3A_42 = tpu.memref_squeeze %dma_start3A_41 : memref<1x128x128xf32, #tpu.memory_space<vmem>> -> memref<128x128xf32, #tpu.memory_space<vmem>>
    %dma_start3A_43 = arith.constant 384 : i32
    %dma_start3A_44 = tpu.memref_slice %arg5[%dma_start3A_43] : memref<512xi32, #tpu.memory_space<vmem>> -> memref<128xi32, #tpu.memory_space<vmem>>
    %dma_start3A_45 = arith.constant 0 : i32
    %dma_start3A_46 = arith.constant 0 : i32
    %dma_start3A_47 = tpu.memref_slice %arg7[%dma_start3A_45, %dma_start3A_46] : memref<1000x128xf32, #tpu.memory_space<vmem_shared>> -> memref<1000x128xf32, #tpu.memory_space<vmem_shared>>
    tpu.enqueue_indirect_dma source(%dma_start3A_47 : memref<1000x128xf32, #tpu.memory_space<vmem_shared>>) target(%dma_start3A_42 : memref<128x128xf32, #tpu.memory_space<vmem>>) offsets(%dma_start3A_44 : memref<128xi32, #tpu.memory_space<vmem>>) semaphore(%arg9 : memref<!tpu.dma_semaphore, #tpu.memory_space<semaphore_mem>>)
    %dma_wait3A_48 = arith.constant 0 : i32
    %dma_wait3A_49 = arith.constant 0 : i32
    %dma_wait3A_50 = arith.constant 0 : i32
    %dma_wait3A_51 = tpu.memref_slice %arg6[%dma_wait3A_48, %dma_wait3A_49, %dma_wait3A_50] : memref<4x128x128xf32, #tpu.memory_space<vmem>> -> memref<1x128x128xf32, #tpu.memory_space<vmem>>
    %dma_wait3A_52 = tpu.memref_squeeze %dma_wait3A_51 : memref<1x128x128xf32, #tpu.memory_space<vmem>> -> memref<128x128xf32, #tpu.memory_space<vmem>>
    %dma_wait3A_53 = arith.constant 0 : i32
    %dma_wait3A_54 = tpu.memref_slice %arg5[%dma_wait3A_53] : memref<512xi32, #tpu.memory_space<vmem>> -> memref<128xi32, #tpu.memory_space<vmem>>
    %dma_wait3A_55 = arith.constant 0 : i32
    %dma_wait3A_56 = arith.constant 0 : i32
    %dma_wait3A_57 = tpu.memref_slice %arg7[%dma_wait3A_55, %dma_wait3A_56] : memref<1000x128xf32, #tpu.memory_space<vmem_shared>> -> memref<1000x128xf32, #tpu.memory_space<vmem_shared>>
    tpu.wait_indirect_dma semaphore(%arg9 : memref<!tpu.dma_semaphore, #tpu.memory_space<semaphore_mem>>) src(%dma_wait3A_57 : memref<1000x128xf32, #tpu.memory_space<vmem_shared>>) dst(%dma_wait3A_52 : memref<128x128xf32, #tpu.memory_space<vmem>>)
    %add3A_58 = arith.constant 0 : i32
    %add3A_59 = arith.addi %mul3A_2, %add3A_58 : i32
    %dma_start3A_60 = arith.constant 0 : i32
    %dma_start3A_61 = arith.constant 0 : i32
    %dma_start3A_62 = arith.constant 0 : i32
    %dma_start3A_63 = tpu.memref_slice %arg6[%dma_start3A_60, %dma_start3A_61, %dma_start3A_62] : memref<4x128x128xf32, #tpu.memory_space<vmem>> -> memref<1x128x128xf32, #tpu.memory_space<vmem>>
    %dma_start3A_64 = tpu.memref_squeeze %dma_start3A_63 : memref<1x128x128xf32, #tpu.memory_space<vmem>> -> memref<128x128xf32, #tpu.memory_space<vmem>>
    %dma_start3A_65 = arith.constant 0 : i32
    %dma_start3A_66 = tpu.memref_slice %arg4[%add3A_59, %dma_start3A_65] : memref<16384x128xf32, #tpu.memory_space<hbm>> -> memref<128x128xf32, #tpu.memory_space<hbm>>
    %dma_start3A_67 = arith.constant 0 : i32
    %dma_start3A_68 = tpu.memref_slice %arg4[%add3A_59, %dma_start3A_67] : memref<16384x128xf32, #tpu.memory_space<hbm>> -> memref<128x128xf32, #tpu.memory_space<hbm>>
    %dma_start3A_69 = arith.constant 0 : i32
    %dma_start3A_70 = arith.constant 0 : i32
    %dma_start3A_71 = tpu.memref_slice %arg6[%dma_start3A_60, %dma_start3A_69, %dma_start3A_70] : memref<4x128x128xf32, #tpu.memory_space<vmem>> -> memref<1x128x128xf32, #tpu.memory_space<vmem>>
    %dma_start3A_72 = tpu.memref_squeeze %dma_start3A_71 : memref<1x128x128xf32, #tpu.memory_space<vmem>> -> memref<128x128xf32, #tpu.memory_space<vmem>>
    tpu.enqueue_dma source(%dma_start3A_72 : memref<128x128xf32, #tpu.memory_space<vmem>>) target(%dma_start3A_68 : memref<128x128xf32, #tpu.memory_space<hbm>>) target_semaphore(%arg10 : memref<!tpu.dma_semaphore, #tpu.memory_space<semaphore_mem>>)
    %dma_wait3A_73 = arith.constant 1 : i32
    %dma_wait3A_74 = arith.constant 0 : i32
    %dma_wait3A_75 = arith.constant 0 : i32
    %dma_wait3A_76 = tpu.memref_slice %arg6[%dma_wait3A_73, %dma_wait3A_74, %dma_wait3A_75] : memref<4x128x128xf32, #tpu.memory_space<vmem>> -> memref<1x128x128xf32, #tpu.memory_space<vmem>>
    %dma_wait3A_77 = tpu.memref_squeeze %dma_wait3A_76 : memref<1x128x128xf32, #tpu.memory_space<vmem>> -> memref<128x128xf32, #tpu.memory_space<vmem>>
    %dma_wait3A_78 = arith.constant 128 : i32
    %dma_wait3A_79 = tpu.memref_slice %arg5[%dma_wait3A_78] : memref<512xi32, #tpu.memory_space<vmem>> -> memref<128xi32, #tpu.memory_space<vmem>>
    %dma_wait3A_80 = arith.constant 0 : i32
    %dma_wait3A_81 = arith.constant 0 : i32
    %dma_wait3A_82 = tpu.memref_slice %arg7[%dma_wait3A_80, %dma_wait3A_81] : memref<1000x128xf32, #tpu.memory_space<vmem_shared>> -> memref<1000x128xf32, #tpu.memory_space<vmem_shared>>
    tpu.wait_indirect_dma semaphore(%arg9 : memref<!tpu.dma_semaphore, #tpu.memory_space<semaphore_mem>>) src(%dma_wait3A_82 : memref<1000x128xf32, #tpu.memory_space<vmem_shared>>) dst(%dma_wait3A_77 : memref<128x128xf32, #tpu.memory_space<vmem>>)
    %add3A_83 = arith.constant 128 : i32
    %add3A_84 = arith.addi %mul3A_2, %add3A_83 : i32
    %dma_start3A_85 = arith.constant 1 : i32
    %dma_start3A_86 = arith.constant 0 : i32
    %dma_start3A_87 = arith.constant 0 : i32
    %dma_start3A_88 = tpu.memref_slice %arg6[%dma_start3A_85, %dma_start3A_86, %dma_start3A_87] : memref<4x128x128xf32, #tpu.memory_space<vmem>> -> memref<1x128x128xf32, #tpu.memory_space<vmem>>
    %dma_start3A_89 = tpu.memref_squeeze %dma_start3A_88 : memref<1x128x128xf32, #tpu.memory_space<vmem>> -> memref<128x128xf32, #tpu.memory_space<vmem>>
    %dma_start3A_90 = arith.constant 0 : i32
    %dma_start3A_91 = tpu.memref_slice %arg4[%add3A_84, %dma_start3A_90] : memref<16384x128xf32, #tpu.memory_space<hbm>> -> memref<128x128xf32, #tpu.memory_space<hbm>>
    %dma_start3A_92 = arith.constant 0 : i32
    %dma_start3A_93 = tpu.memref_slice %arg4[%add3A_84, %dma_start3A_92] : memref<16384x128xf32, #tpu.memory_space<hbm>> -> memref<128x128xf32, #tpu.memory_space<hbm>>
    %dma_start3A_94 = arith.constant 0 : i32
    %dma_start3A_95 = arith.constant 0 : i32
    %dma_start3A_96 = tpu.memref_slice %arg6[%dma_start3A_85, %dma_start3A_94, %dma_start3A_95] : memref<4x128x128xf32, #tpu.memory_space<vmem>> -> memref<1x128x128xf32, #tpu.memory_space<vmem>>
    %dma_start3A_97 = tpu.memref_squeeze %dma_start3A_96 : memref<1x128x128xf32, #tpu.memory_space<vmem>> -> memref<128x128xf32, #tpu.memory_space<vmem>>
    tpu.enqueue_dma source(%dma_start3A_97 : memref<128x128xf32, #tpu.memory_space<vmem>>) target(%dma_start3A_93 : memref<128x128xf32, #tpu.memory_space<hbm>>) target_semaphore(%arg10 : memref<!tpu.dma_semaphore, #tpu.memory_space<semaphore_mem>>)
    %dma_wait3A_98 = arith.constant 2 : i32
    %dma_wait3A_99 = arith.constant 0 : i32
    %dma_wait3A_100 = arith.constant 0 : i32
    %dma_wait3A_101 = tpu.memref_slice %arg6[%dma_wait3A_98, %dma_wait3A_99, %dma_wait3A_100] : memref<4x128x128xf32, #tpu.memory_space<vmem>> -> memref<1x128x128xf32, #tpu.memory_space<vmem>>
    %dma_wait3A_102 = tpu.memref_squeeze %dma_wait3A_101 : memref<1x128x128xf32, #tpu.memory_space<vmem>> -> memref<128x128xf32, #tpu.memory_space<vmem>>
    %dma_wait3A_103 = arith.constant 256 : i32
    %dma_wait3A_104 = tpu.memref_slice %arg5[%dma_wait3A_103] : memref<512xi32, #tpu.memory_space<vmem>> -> memref<128xi32, #tpu.memory_space<vmem>>
    %dma_wait3A_105 = arith.constant 0 : i32
    %dma_wait3A_106 = arith.constant 0 : i32
    %dma_wait3A_107 = tpu.memref_slice %arg7[%dma_wait3A_105, %dma_wait3A_106] : memref<1000x128xf32, #tpu.memory_space<vmem_shared>> -> memref<1000x128xf32, #tpu.memory_space<vmem_shared>>
    tpu.wait_indirect_dma semaphore(%arg9 : memref<!tpu.dma_semaphore, #tpu.memory_space<semaphore_mem>>) src(%dma_wait3A_107 : memref<1000x128xf32, #tpu.memory_space<vmem_shared>>) dst(%dma_wait3A_102 : memref<128x128xf32, #tpu.memory_space<vmem>>)
    %add3A_108 = arith.constant 256 : i32
    %add3A_109 = arith.addi %mul3A_2, %add3A_108 : i32
    %dma_start3A_110 = arith.constant 2 : i32
    %dma_start3A_111 = arith.constant 0 : i32
    %dma_start3A_112 = arith.constant 0 : i32
    %dma_start3A_113 = tpu.memref_slice %arg6[%dma_start3A_110, %dma_start3A_111, %dma_start3A_112] : memref<4x128x128xf32, #tpu.memory_space<vmem>> -> memref<1x128x128xf32, #tpu.memory_space<vmem>>
    %dma_start3A_114 = tpu.memref_squeeze %dma_start3A_113 : memref<1x128x128xf32, #tpu.memory_space<vmem>> -> memref<128x128xf32, #tpu.memory_space<vmem>>
    %dma_start3A_115 = arith.constant 0 : i32
    %dma_start3A_116 = tpu.memref_slice %arg4[%add3A_109, %dma_start3A_115] : memref<16384x128xf32, #tpu.memory_space<hbm>> -> memref<128x128xf32, #tpu.memory_space<hbm>>
    %dma_start3A_117 = arith.constant 0 : i32
    %dma_start3A_118 = tpu.memref_slice %arg4[%add3A_109, %dma_start3A_117] : memref<16384x128xf32, #tpu.memory_space<hbm>> -> memref<128x128xf32, #tpu.memory_space<hbm>>
    %dma_start3A_119 = arith.constant 0 : i32
    %dma_start3A_120 = arith.constant 0 : i32
    %dma_start3A_121 = tpu.memref_slice %arg6[%dma_start3A_110, %dma_start3A_119, %dma_start3A_120] : memref<4x128x128xf32, #tpu.memory_space<vmem>> -> memref<1x128x128xf32, #tpu.memory_space<vmem>>
    %dma_start3A_122 = tpu.memref_squeeze %dma_start3A_121 : memref<1x128x128xf32, #tpu.memory_space<vmem>> -> memref<128x128xf32, #tpu.memory_space<vmem>>
    tpu.enqueue_dma source(%dma_start3A_122 : memref<128x128xf32, #tpu.memory_space<vmem>>) target(%dma_start3A_118 : memref<128x128xf32, #tpu.memory_space<hbm>>) target_semaphore(%arg10 : memref<!tpu.dma_semaphore, #tpu.memory_space<semaphore_mem>>)
    %dma_wait3A_123 = arith.constant 3 : i32
    %dma_wait3A_124 = arith.constant 0 : i32
    %dma_wait3A_125 = arith.constant 0 : i32
    %dma_wait3A_126 = tpu.memref_slice %arg6[%dma_wait3A_123, %dma_wait3A_124, %dma_wait3A_125] : memref<4x128x128xf32, #tpu.memory_space<vmem>> -> memref<1x128x128xf32, #tpu.memory_space<vmem>>
    %dma_wait3A_127 = tpu.memref_squeeze %dma_wait3A_126 : memref<1x128x128xf32, #tpu.memory_space<vmem>> -> memref<128x128xf32, #tpu.memory_space<vmem>>
    %dma_wait3A_128 = arith.constant 384 : i32
    %dma_wait3A_129 = tpu.memref_slice %arg5[%dma_wait3A_128] : memref<512xi32, #tpu.memory_space<vmem>> -> memref<128xi32, #tpu.memory_space<vmem>>
    %dma_wait3A_130 = arith.constant 0 : i32
    %dma_wait3A_131 = arith.constant 0 : i32
    %dma_wait3A_132 = tpu.memref_slice %arg7[%dma_wait3A_130, %dma_wait3A_131] : memref<1000x128xf32, #tpu.memory_space<vmem_shared>> -> memref<1000x128xf32, #tpu.memory_space<vmem_shared>>
    tpu.wait_indirect_dma semaphore(%arg9 : memref<!tpu.dma_semaphore, #tpu.memory_space<semaphore_mem>>) src(%dma_wait3A_132 : memref<1000x128xf32, #tpu.memory_space<vmem_shared>>) dst(%dma_wait3A_127 : memref<128x128xf32, #tpu.memory_space<vmem>>)
    %add3A_133 = arith.constant 384 : i32
    %add3A_134 = arith.addi %mul3A_2, %add3A_133 : i32
    %dma_start3A_135 = arith.constant 3 : i32
    %dma_start3A_136 = arith.constant 0 : i32
    %dma_start3A_137 = arith.constant 0 : i32
    %dma_start3A_138 = tpu.memref_slice %arg6[%dma_start3A_135, %dma_start3A_136, %dma_start3A_137] : memref<4x128x128xf32, #tpu.memory_space<vmem>> -> memref<1x128x128xf32, #tpu.memory_space<vmem>>
    %dma_start3A_139 = tpu.memref_squeeze %dma_start3A_138 : memref<1x128x128xf32, #tpu.memory_space<vmem>> -> memref<128x128xf32, #tpu.memory_space<vmem>>
    %dma_start3A_140 = arith.constant 0 : i32
    %dma_start3A_141 = tpu.memref_slice %arg4[%add3A_134, %dma_start3A_140] : memref<16384x128xf32, #tpu.memory_space<hbm>> -> memref<128x128xf32, #tpu.memory_space<hbm>>
    %dma_start3A_142 = arith.constant 0 : i32
    %dma_start3A_143 = tpu.memref_slice %arg4[%add3A_134, %dma_start3A_142] : memref<16384x128xf32, #tpu.memory_space<hbm>> -> memref<128x128xf32, #tpu.memory_space<hbm>>
    %dma_start3A_144 = arith.constant 0 : i32
    %dma_start3A_145 = arith.constant 0 : i32
    %dma_start3A_146 = tpu.memref_slice %arg6[%dma_start3A_135, %dma_start3A_144, %dma_start3A_145] : memref<4x128x128xf32, #tpu.memory_space<vmem>> -> memref<1x128x128xf32, #tpu.memory_space<vmem>>
    %dma_start3A_147 = tpu.memref_squeeze %dma_start3A_146 : memref<1x128x128xf32, #tpu.memory_space<vmem>> -> memref<128x128xf32, #tpu.memory_space<vmem>>
    tpu.enqueue_dma source(%dma_start3A_147 : memref<128x128xf32, #tpu.memory_space<vmem>>) target(%dma_start3A_143 : memref<128x128xf32, #tpu.memory_space<hbm>>) target_semaphore(%arg10 : memref<!tpu.dma_semaphore, #tpu.memory_space<semaphore_mem>>)
    %dma_wait3A_148 = arith.constant 0 : i32
    %dma_wait3A_149 = arith.constant 0 : i32
    %dma_wait3A_150 = arith.constant 0 : i32
    %dma_wait3A_151 = tpu.memref_slice %arg6[%dma_wait3A_148, %dma_wait3A_149, %dma_wait3A_150] : memref<4x128x128xf32, #tpu.memory_space<vmem>> -> memref<1x128x128xf32, #tpu.memory_space<vmem>>
    %dma_wait3A_152 = tpu.memref_squeeze %dma_wait3A_151 : memref<1x128x128xf32, #tpu.memory_space<vmem>> -> memref<128x128xf32, #tpu.memory_space<vmem>>
    %dma_wait3A_153 = arith.constant 0 : i32
    %dma_wait3A_154 = tpu.memref_slice %arg4[%add3A_59, %dma_wait3A_153] : memref<16384x128xf32, #tpu.memory_space<hbm>> -> memref<128x128xf32, #tpu.memory_space<hbm>>
    %dma_wait3A_155 = arith.constant 0 : i32
    %dma_wait3A_156 = tpu.memref_slice %arg4[%add3A_59, %dma_wait3A_155] : memref<16384x128xf32, #tpu.memory_space<hbm>> -> memref<128x128xf32, #tpu.memory_space<hbm>>
    %dma_wait3A_157 = arith.constant 0 : i32
    %dma_wait3A_158 = arith.constant 0 : i32
    %dma_wait3A_159 = tpu.memref_slice %arg6[%dma_wait3A_148, %dma_wait3A_157, %dma_wait3A_158] : memref<4x128x128xf32, #tpu.memory_space<vmem>> -> memref<1x128x128xf32, #tpu.memory_space<vmem>>
    %dma_wait3A_160 = tpu.memref_squeeze %dma_wait3A_159 : memref<1x128x128xf32, #tpu.memory_space<vmem>> -> memref<128x128xf32, #tpu.memory_space<vmem>>
    tpu.wait_dma2 semaphore(%arg10 : memref<!tpu.dma_semaphore, #tpu.memory_space<semaphore_mem>>) src(%dma_wait3A_160 : memref<128x128xf32, #tpu.memory_space<vmem>>) dst(%dma_wait3A_156 : memref<128x128xf32, #tpu.memory_space<hbm>>)
    %dma_wait3A_161 = arith.constant 1 : i32
    %dma_wait3A_162 = arith.constant 0 : i32
    %dma_wait3A_163 = arith.constant 0 : i32
    %dma_wait3A_164 = tpu.memref_slice %arg6[%dma_wait3A_161, %dma_wait3A_162, %dma_wait3A_163] : memref<4x128x128xf32, #tpu.memory_space<vmem>> -> memref<1x128x128xf32, #tpu.memory_space<vmem>>
    %dma_wait3A_165 = tpu.memref_squeeze %dma_wait3A_164 : memref<1x128x128xf32, #tpu.memory_space<vmem>> -> memref<128x128xf32, #tpu.memory_space<vmem>>
    %dma_wait3A_166 = arith.constant 0 : i32
    %dma_wait3A_167 = tpu.memref_slice %arg4[%add3A_84, %dma_wait3A_166] : memref<16384x128xf32, #tpu.memory_space<hbm>> -> memref<128x128xf32, #tpu.memory_space<hbm>>
    %dma_wait3A_168 = arith.constant 0 : i32
    %dma_wait3A_169 = tpu.memref_slice %arg4[%add3A_84, %dma_wait3A_168] : memref<16384x128xf32, #tpu.memory_space<hbm>> -> memref<128x128xf32, #tpu.memory_space<hbm>>
    %dma_wait3A_170 = arith.constant 0 : i32
    %dma_wait3A_171 = arith.constant 0 : i32
    %dma_wait3A_172 = tpu.memref_slice %arg6[%dma_wait3A_161, %dma_wait3A_170, %dma_wait3A_171] : memref<4x128x128xf32, #tpu.memory_space<vmem>> -> memref<1x128x128xf32, #tpu.memory_space<vmem>>
    %dma_wait3A_173 = tpu.memref_squeeze %dma_wait3A_172 : memref<1x128x128xf32, #tpu.memory_space<vmem>> -> memref<128x128xf32, #tpu.memory_space<vmem>>
    tpu.wait_dma2 semaphore(%arg10 : memref<!tpu.dma_semaphore, #tpu.memory_space<semaphore_mem>>) src(%dma_wait3A_173 : memref<128x128xf32, #tpu.memory_space<vmem>>) dst(%dma_wait3A_169 : memref<128x128xf32, #tpu.memory_space<hbm>>)
    %dma_wait3A_174 = arith.constant 2 : i32
    %dma_wait3A_175 = arith.constant 0 : i32
    %dma_wait3A_176 = arith.constant 0 : i32
    %dma_wait3A_177 = tpu.memref_slice %arg6[%dma_wait3A_174, %dma_wait3A_175, %dma_wait3A_176] : memref<4x128x128xf32, #tpu.memory_space<vmem>> -> memref<1x128x128xf32, #tpu.memory_space<vmem>>
    %dma_wait3A_178 = tpu.memref_squeeze %dma_wait3A_177 : memref<1x128x128xf32, #tpu.memory_space<vmem>> -> memref<128x128xf32, #tpu.memory_space<vmem>>
    %dma_wait3A_179 = arith.constant 0 : i32
    %dma_wait3A_180 = tpu.memref_slice %arg4[%add3A_109, %dma_wait3A_179] : memref<16384x128xf32, #tpu.memory_space<hbm>> -> memref<128x128xf32, #tpu.memory_space<hbm>>
    %dma_wait3A_181 = arith.constant 0 : i32
    %dma_wait3A_182 = tpu.memref_slice %arg4[%add3A_109, %dma_wait3A_181] : memref<16384x128xf32, #tpu.memory_space<hbm>> -> memref<128x128xf32, #tpu.memory_space<hbm>>
    %dma_wait3A_183 = arith.constant 0 : i32
    %dma_wait3A_184 = arith.constant 0 : i32
    %dma_wait3A_185 = tpu.memref_slice %arg6[%dma_wait3A_174, %dma_wait3A_183, %dma_wait3A_184] : memref<4x128x128xf32, #tpu.memory_space<vmem>> -> memref<1x128x128xf32, #tpu.memory_space<vmem>>
    %dma_wait3A_186 = tpu.memref_squeeze %dma_wait3A_185 : memref<1x128x128xf32, #tpu.memory_space<vmem>> -> memref<128x128xf32, #tpu.memory_space<vmem>>
    tpu.wait_dma2 semaphore(%arg10 : memref<!tpu.dma_semaphore, #tpu.memory_space<semaphore_mem>>) src(%dma_wait3A_186 : memref<128x128xf32, #tpu.memory_space<vmem>>) dst(%dma_wait3A_182 : memref<128x128xf32, #tpu.memory_space<hbm>>)
    %dma_wait3A_187 = arith.constant 3 : i32
    %dma_wait3A_188 = arith.constant 0 : i32
    %dma_wait3A_189 = arith.constant 0 : i32
    %dma_wait3A_190 = tpu.memref_slice %arg6[%dma_wait3A_187, %dma_wait3A_188, %dma_wait3A_189] : memref<4x128x128xf32, #tpu.memory_space<vmem>> -> memref<1x128x128xf32, #tpu.memory_space<vmem>>
    %dma_wait3A_191 = tpu.memref_squeeze %dma_wait3A_190 : memref<1x128x128xf32, #tpu.memory_space<vmem>> -> memref<128x128xf32, #tpu.memory_space<vmem>>
    %dma_wait3A_192 = arith.constant 0 : i32
    %dma_wait3A_193 = tpu.memref_slice %arg4[%add3A_134, %dma_wait3A_192] : memref<16384x128xf32, #tpu.memory_space<hbm>> -> memref<128x128xf32, #tpu.memory_space<hbm>>
    %dma_wait3A_194 = arith.constant 0 : i32
    %dma_wait3A_195 = tpu.memref_slice %arg4[%add3A_134, %dma_wait3A_194] : memref<16384x128xf32, #tpu.memory_space<hbm>> -> memref<128x128xf32, #tpu.memory_space<hbm>>
    %dma_wait3A_196 = arith.constant 0 : i32
    %dma_wait3A_197 = arith.constant 0 : i32
    %dma_wait3A_198 = tpu.memref_slice %arg6[%dma_wait3A_187, %dma_wait3A_196, %dma_wait3A_197] : memref<4x128x128xf32, #tpu.memory_space<vmem>> -> memref<1x128x128xf32, #tpu.memory_space<vmem>>
    %dma_wait3A_199 = tpu.memref_squeeze %dma_wait3A_198 : memref<1x128x128xf32, #tpu.memory_space<vmem>> -> memref<128x128xf32, #tpu.memory_space<vmem>>
    tpu.wait_dma2 semaphore(%arg10 : memref<!tpu.dma_semaphore, #tpu.memory_space<semaphore_mem>>) src(%dma_wait3A_199 : memref<128x128xf32, #tpu.memory_space<vmem>>) dst(%dma_wait3A_195 : memref<128x128xf32, #tpu.memory_space<hbm>>)
    return
  }
}

module attributes {stable_mosaic.version = 14 : i64} {
  func.func @_softmax_body(%arg0: memref<1000x128xf32, #tpu.memory_space<vmem>>, %arg1: memref<1000x128xf32, #tpu.memory_space<vmem>>) attributes {dimension_semantics = [], scalar_prefetch = 0 : i64, scratch_operands = 0 : i64, tpu.core_type = #tpu.core_type<tc>} {
    %get3A = arith.constant 0 : index
    %get3A_0 = arith.constant 0 : index
    %get3A_1 = vector.load %arg0[%get3A, %get3A_0] : memref<1000x128xf32, #tpu.memory_space<vmem>>, vector<1000x128xf32>
    %reduce_max3A = arith.constant dense<0xFF800000> : vector<1000xf32>
    %reduce_max3A_2 = vector.multi_reduction <maximumf>, %get3A_1, %reduce_max3A [1] : vector<1000x128xf32> to vector<1000xf32>
    %broadcast_in_dim3A = vector.shape_cast %reduce_max3A_2 : vector<1000xf32> to vector<1000x1xf32>
    %sub3A = vector.broadcast %broadcast_in_dim3A : vector<1000x1xf32> to vector<1000x128xf32>
    %sub3A_3 = arith.subf %get3A_1, %sub3A : vector<1000x128xf32>
    %exp3A = math.exp %sub3A_3 : vector<1000x128xf32>
    %reduce_sum3A = arith.constant dense<0.000000e+00> : vector<1000xf32>
    %reduce_sum3A_4 = vector.multi_reduction <add>, %exp3A, %reduce_sum3A [1] : vector<1000x128xf32> to vector<1000xf32>
    %broadcast_in_dim3A_5 = vector.shape_cast %reduce_sum3A_4 : vector<1000xf32> to vector<1000x1xf32>
    %div3A = arith.constant 1.000000e+00 : f32
    %div3A_6 = vector.broadcast %div3A : f32 to vector<1000x1xf32>
    %div3A_7 = arith.divf %div3A_6, %broadcast_in_dim3A_5 : vector<1000x1xf32>
    %mul3A = vector.broadcast %div3A_7 : vector<1000x1xf32> to vector<1000x128xf32>
    %mul3A_8 = arith.mulf %exp3A, %mul3A : vector<1000x128xf32>
    %swap3A = arith.constant 0 : index
    %swap3A_9 = arith.constant 0 : index
    %swap3A_10 = vector.load %arg1[%swap3A, %swap3A_9] : memref<1000x128xf32, #tpu.memory_space<vmem>>, vector<1000x128xf32>
    tpu.vector_store %arg1[%swap3A, %swap3A_9], %mul3A_8 {strides = array<i32>} : memref<1000x128xf32, #tpu.memory_space<vmem>>, vector<1000x128xf32>,
    return
  }
}

</mosaic_0001>

<sc_bundles>
// kernel: kernel.4.cloned.1.call-start
scs
__scs_entry_jumppad:
0x0: {  	(pc) =	sbr.rel $0x88, $3  }
0x1: {  	(tag) =	ssettag $0x0;
	lr =	simm.s32 $0x1  }
0x2: {  	[smem:$0x3F9F] =	sst lr;
	_ =	strace $0xD0000000  }
0x3: {  	_ = 	snop  }
0x4: {  	_ = 	snop  }
0x5: {  	_ = 	snop  }
0x6: {  	_ = 	snop  }
0x7: {  	_ = 	snop  }
__scs_overlays_trampoline_lowered:
0x8: {  	[smem:$0x3FAE] =	sst s0  }
0x9: {  	[smem:$0x3FAF] =	sst s1  }
0xa: {  	[smem:$0x3FB0] =	sst s2  }
0xb: {  	[smem:$0x3FB1] =	sst s3  }
0xc: {  	[smem:$0x3FB2] =	sst s4  }
0xd: {  	[smem:$0x3FB3] =	sst s5  }
0xe: {  	[smem:$0x3FB4] =	sst s6  }
0xf: {  	[smem:$0x3FB5] =	sst s7  }
0x10: {  	[smem:$0x3FB6] =	sst s8  }
0x11: {  	[smem:$0x3FB7] =	sst s9;
	s0 =	simm.s32 @!p0 $0x0  }
0x12: {  	s1 =	sld [smem:$0x3F9D];
	s0 =	simm.s32 @p0 $0x1  }
0x13: {  	[smem:$0x3FB8] =	sst s0;
	s0 =	simm.s32 @!p1 $0x0  }
0x14: {  	s2 =	sld [smem:$0x3F9C];
	s0 =	simm.s32 @p1 $0x1  }
0x15: {  	[smem:$0x3FB9] =	sst s0;
	s0 =	simm.s32 @!p2 $0x0  }
0x16: {  	s3 =	sld [smem:$0x3FDB];
	s0 =	simm.s32 @p2 $0x1  }
0x17: {  	s4 =	simm.s32 $0x1BF5;
	[smem:$0x3FBB] =	sst s0  }
0x18: {  	s0 =	sld [smem:$0x3F9E];
	_ =	swait.ge [sflag:s4], $0x0  }
0x19: {  	s7 =	sld [smem:$0x3F9F]  }
0x1a: {  	s8 =	sadd.s32 $0xFFFFE003, lr  }
0x1b: {  	s9 =	sadd.s32 $0xFFFFFEF7, lr;
	s5 =	simm.s32 $0xFFFFFFFF;
	p2 =	slt.u32 s8, $0xFFFFF086  }
0x1c: {  	p1 =	slt.u32 s9, $0xF7A;
	s5 =	simm.s32 @!p2 $0x0  }
0x1d: {  	s5 =	simm.s32 @p1 $0x1;
	p0 =	seq.s32 s7, s2  }
0x1e: {  	s7 =	smul.u32 @!p0 $0xF7A, s2;
	p2 =	seq.s32 @!p0 s5, $0x0  }
0x1f: {  	s9 =	smul.u32 $0xF7A, s1;
	s8 =	simm.s32 @!p0 $0x1BF5;
	p2 =	por !p2, p0  }
0x20: {  	[sflag:s8] =	ssyncset.s32 @!p0 $0xFFFFF086;
	s6 =	sadd.s32 @!p0 s3, s7;
	s7 =	simm.s32 @!p0 $0x108  }
0x21: {  	s3 =	sadd.s32 s3, s9;
	s6 =	sadd.s32 @!p0 $0x88, s6;
	s7 =	simm.s32 @p2 $0x1082  }
0x22: {  	[simem:s7], [sflag:s8] =	dma.local @!p0 [hbm:s6], $0xF7A  }
0x23: {  	s9 =	sor.u32 $0xD0000000, s2;
	s6 =	simm.s32 $0x108;
	_ =	swait.ge @!p0 [sflag:s8], $0x0  }
0x24: {  	s3 =	sadd.s32 $0x88, s3;
	s6 =	simm.s32 @!p1 $0x1082;
	[sflag:s4] =	ssyncset.s32 $0xFFFFF086  }
0x25: {  	[simem:s6], [sflag:s4] =	dma.local [hbm:s3], $0xF7A  }
0x26: {  	[smem:$0x3F9F] =	sst s1;
	(tag) =	ssettag s2;
	_ =	strace s9  }
0x27: {  	s1 =	sld [smem:$0x3FAF]  }
0x28: {  	s2 =	sld [smem:$0x3FB0]  }
0x29: {  	s4 =	sld [smem:$0x3FB2]  }
0x2a: {  	p0 =	seq.s32 s5, $0x0;
	s5 =	sld [smem:$0x3FB3]  }
0x2b: {  	s6 =	sld [smem:$0x3FB4]  }
0x2c: {  	s7 =	sld [smem:$0x3FB5]  }
0x2d: {  	s3 =	simm.s32 $0x108;
	s8 =	sld [smem:$0x3FB6]  }
0x2e: {  	s3 =	simm.s32 @!p0 $0x1082;
	s9 =	sld [smem:$0x3FB7]  }
0x2f: {  	lr =	sadd.s32 s0, s3;
	s0 =	sld [smem:$0x3FAE]  }
0x30: {  	s3 =	sld [smem:$0x3FB1]  }
0x31: {  	[smem:$0x3FBA] =	sst s10  }
0x32: {  	s10 =	sld [smem:$0x3FB8];
	_ =	sdelay $0x3  }
0x33: {  	p0 =	seq.s32 s10, $0x1;
	s10 =	sld [smem:$0x3FBA];
	_ =	sdelay $0x3  }
0x34: {  	[smem:$0x3FBA] =	sst s10  }
0x35: {  	s10 =	sld [smem:$0x3FB9];
	_ =	sdelay $0x3  }
0x36: {  	p1 =	seq.s32 s10, $0x1;
	s10 =	sld [smem:$0x3FBA];
	_ =	sdelay $0x3  }
0x37: {  	[smem:$0x3FBA] =	sst s10  }
0x38: {  	s10 =	sld [smem:$0x3FBB]  }
0x39: {  	_ = 	snop;
	(pc) =	sbr.ind lr, $3  }
0x3a: {  	_ = 	snop  }
0x3b: {  	_ = 	snop  }
0x3c: {  	p2 =	seq.s32 s10, $0x1;
	s10 =	sld [smem:$0x3FBA]  }
0x3d: {  	_ =	shalt  }
0x3e: {  	_ =	shalt  }
0x3f: {  	_ =	shalt  }
0x40: {  	_ =	shalt  }
0x41: {  	_ =	shalt  }
0x42: {  	_ =	shalt  }
0x43: {  	_ =	shalt  }
0x44: {  	_ =	shalt  }
0x45: {  	_ =	shalt  }
0x46: {  	_ =	shalt  }
0x47: {  	_ =	shalt  }
0x48: {  	_ =	shalt  }
0x49: {  	_ =	shalt  }
0x4a: {  	_ =	shalt  }
0x4b: {  	_ =	shalt  }
0x4c: {  	_ =	shalt  }
0x4d: {  	_ =	shalt  }
0x4e: {  	_ =	shalt  }
0x4f: {  	_ =	shalt  }
0x50: {  	_ =	shalt  }
0x51: {  	_ =	shalt  }
0x52: {  	_ =	shalt  }
0x53: {  	_ =	shalt  }
0x54: {  	_ =	shalt  }
0x55: {  	_ =	shalt  }
0x56: {  	_ =	shalt  }
0x57: {  	_ =	shalt  }
0x58: {  	_ =	shalt  }
0x59: {  	_ =	shalt  }
0x5a: {  	_ =	shalt  }
0x5b: {  	_ =	shalt  }
0x5c: {  	_ =	shalt  }
0x5d: {  	_ =	shalt  }
0x5e: {  	_ =	shalt  }
0x5f: {  	_ =	shalt  }
0x60: {  	_ =	shalt  }
0x61: {  	_ =	shalt  }
0x62: {  	_ =	shalt  }
0x63: {  	_ =	shalt  }
0x64: {  	_ =	shalt  }
0x65: {  	_ =	shalt  }
0x66: {  	_ =	shalt  }
0x67: {  	_ =	shalt  }
0x68: {  	_ =	shalt  }
0x69: {  	_ =	shalt  }
0x6a: {  	_ =	shalt  }
0x6b: {  	_ =	shalt  }
0x6c: {  	_ =	shalt  }
0x6d: {  	_ =	shalt  }
0x6e: {  	_ =	shalt  }
0x6f: {  	_ =	shalt  }
0x70: {  	_ =	shalt  }
0x71: {  	_ =	shalt  }
0x72: {  	_ =	shalt  }
0x73: {  	_ =	shalt  }
0x74: {  	_ =	shalt  }
0x75: {  	_ =	shalt  }
0x76: {  	_ =	shalt  }
0x77: {  	_ =	shalt  }
0x78: {  	_ =	shalt  }
0x79: {  	_ =	shalt  }
0x7a: {  	_ =	shalt  }
0x7b: {  	_ =	shalt  }
0x7c: {  	_ =	shalt  }
0x7d: {  	_ =	shalt  }
0x7e: {  	_ =	shalt  }
0x7f: {  	_ =	shalt  }
0x80: {  	_ =	shalt  }
0x81: {  	_ =	shalt  }
0x82: {  	_ =	shalt  }
0x83: {  	_ =	shalt  }
0x84: {  	_ =	shalt  }
0x85: {  	_ =	shalt  }
0x86: {  	_ =	shalt  }
0x87: {  	_ =	shalt  }
.Lfunc_end0:
.L_simem_size_0:
called_computation_lowered:
.L_overlay_start_0:
0x88: {  	s2 =	sld [smem:$0x3FD9]  }
0x89: {  	s3 =	sld [smem:$0x3FFE];
	_ =	sdelay $0x1  }
0x8a: {  	s1 =	srdreg.scid  }
0x8b: {  	s0 =	sand.u32 $0x1, s1  }
0x8c: {  	s17 =	sshll.u32 s0, $0xA;
	s2 =	sadd.s32 s3, s2  }
0x8d: {  	s2 =	sadd.s32 s2, s17  }
0x8e: {  	[smem:$0x3FC6] =	sst s2  }
0x8f: {  	_ = 	snop  }
0x90: {  	s2 =	sld [smem:$0x3FC9]  }
0x91: {  	s18 =	sld [smem:$0x3FD0];
	(tm) =	ssettm $0x1  }
0x92: {  	s4 =	sld [smem:$0x3FFB];
	_ =	sdelay $0x3  }
0x93: {  	_ =	strace s4  }
0x94: {  	s4 =	sld [smem:$0x3FFC];
	_ =	sdelay $0x3  }
0x95: {  	_ =	strace s4  }
0x96: {  	s4 =	sld [smem:$0x3FFD];
	_ =	sdelay $0x3  }
0x97: {  	_ =	strace s4  }
0x98: {  	_ =	strace $0x8FFFFFFF  }
0x99: {  	s19 =	sld [smem:$0x3FDB];
	_ =	sdelay $0x1  }
0x9a: {  	s5 =	simm.s32 $_scs_section_size  }
0x9b: {  	s6 =	simm.s32 $_size__tile_overlayer_lowered;
	s7 =	simm.s32 $_tile_overlayer_lowered  }
0x9c: {  	s22 =	simm.s32 $0x1BFF;
	s21 =	sshll.u32 s7, $0x1;
	s4 =	sadd.s32 s5, s19  }
0x9d: {  	s8 =	simm.s32 $0x0;
	s20 =	sshll.u32 s6, $0x1;
	s6 =	sadd.s32 s21, s4  }
0x9e: {  	[timem:s8], [sflag:s22] =	dma.local [hbm:s6], s20  }
0x9f: {  	_ =	swait.ge [sflag:s22], s20  }
0xa0: {  	s5 =	ssub.s32 $0x0, s20;
	[sflag:s22] =	ssyncset.done $0x0  }
0xa1: {  	[sflag:s22] =	ssyncadd.s32 s5;
	_ =	sdelay $0x1  }
0xa2: {  	s23 =	simm.s32 $0x1B8B  }
0xa3: {  	_ =	swait.ge [sflag:s23], $0x1  }
0xa4: {  	[sflag:s23] =	ssyncset.done $0x0  }
0xa5: {  	s25 =	simm.s32 $0x1B8E;
	s24 =	sld [smem:$0x3FFE];
	[sflag:s23] =	ssyncadd.s32 $0xFFFFFFFF  }
0xa6: {  	s26 =	simm.s32 $execute0_lowered;
	[smem:$0x3FD2] =	sst s25  }
0xa7: {  	s6 =	sshll.u32 s26, $0x1;
	_ =	strace $0x80000046;
	[dreg:$0x1] =	wrdreg $0xFFFFFFFF  }
0xa8: {  	s28 =	simm.s32 $_size_execute0_lowered;
	s4 =	sadd.s32 s4, s6;
	[dreg:$0x0] =	wrdreg $0x0  }
0xa9: {  	s6 =	sshll.u32 s28, $0x1;
	[dreg:$0x2] =	wrdreg s4  }
0xaa: {  	[dreg:$0x3] =	wrdreg s6  }
0xab: {  	[dreg:$0x4] =	wrdreg $0xC0  }
0xac: {  	_ =	task [dreg:s8], $0x5FFFF  }
0xad: {  	[dreg:$0x1] =	wrdreg $0xFFFFFFFF  }
0xae: {  	[dreg:$0x0] =	wrdreg $0x60  }
0xaf: {  	[dreg:$0x2] =	wrdreg s24  }
0xb0: {  	[dreg:$0x3] =	wrdreg s2  }
0xb1: {  	[dreg:$0x4] =	wrdreg s18  }
0xb2: {  	[dreg:$0x5] =	wrdreg $0x102000  }
0xb3: {  	[dreg:$0x6] =	wrdreg $0x9  }
0xb4: {  	_ =	task.clear_ibuf [dreg:s8], $0x7FFFF;
	_ =	strace $0x90000046  }
0xb5: {  	s29 =	simm.s32 $0x9;
	_ =	strace $0x80000048  }
0xb6: {  	_ =	swait.ge [sflag:s29], $0x1  }
0xb7: {  	[sflag:s29] =	ssyncadd.s32 $0xFFFFFFFF  }
0xb8: {  	_ =	strace $0x90000048  }
0xb9: {  	_ =	sfence  }
0xba: {  	s30 =	sld [smem:$0x0];
	_ =	sdelay $0x2  }
0xbb: {  	s31 =	sshll.u32 s1, $0xD;
	s1 =	sshrl.u32 s1, $0x2  }
0xbc: {  	s3 =	sand.u32 $0x4000, s31;
	s1 =	sadd.s32 s1, s30  }
0xbd: {  	s0 =	sor.u32 s3, s0;
	s1 =	sshll.u32 s1, $0x11  }
0xbe: {  	s0 =	sor.u32 s1, s0  }
0xbf: {  	s0 =	sadd.s32 $0x8F2B, s0  }
0xc0: {  	[sflag:s0] =	ssyncadd.remote.s32 $0x1  }
0xc1: {  	_ =	sfence.sel $0xFFFF  }
0xc2: {  	[dreg:$0x0] =	wrdreg $0xFFFFFFFF;
	(pc) =	sbr.abs _section_cstart, $3  }
0xc3: {  	[dreg:$0x1] =	wrdreg $0xFFFFFFFF  }
0xc4: {  	_ =	task.clear_ibuf [dreg:s8], $0x2FFFF;
	_ =	strace $0x9FFFFFFF  }
0xc5: {  	(tm) =	ssettm $0x7FFFFFFF  }
tec
execute0_lowered:
.L_overlay_start_1:
0x0: {  	(tag) =	ssettag $0x1  }
0x1: {  	s4 =	rddreg [dreg:$0x0]  }
0x2: {  	s5 =	rddreg [dreg:$0x1]  }
0x3: {  	s18 =	rddreg [dreg:$0x2]  }
0x4: {  	s2 =	rddreg [dreg:$0x3]  }
0x5: {  	s0 =	rddreg [dreg:$0x4]  }
0x6: {  	s3 =	simm.s32 $0x0;
	s1 =	stileid.u32;
	s6 =	srdreg.scid  }
0x7: {  	[smem:$0x7FF] =	sst s3;
	s7 =	sshll.u32 s1, $0x6;
	s23 =	sand.u32 $0x1, s6  }
0x8: {  	s8 =	sshll.u32 s1, $0xA;
	s28 =	smin.u32 s7, $0x3A8;
	s9 =	sshll.u32 s23, $0x9  }
0x9: {  	_ =	strace $0x80000047;
	s10 =	sshll.u32 s28, $0x4;
	s19 =	sor.u32 s9, s8  }
0xa: {  	s6 =	sshll.u32 s28, $0x7;
	s8 =	simm.s32 $0x4;
	s29 =	sadd.s32 s10, s4  }
0xb: {  	s30 =	sshrl.u32 s19, $0x3;
	s31 =	sadd.s32 s6, s2;
	s6 =	sor.u32 $0x1C04, s7  }
0xc: {  	s4 =	sadd.s32 s5, s30;
	s5 =	sadd.s32 $0x800, s29;
	s7 =	sshrl.u32 s31, $0x3  }
0xd: {  	[tilespmem:s3], [sflag:$0x1] =	stream.linear.gather [hbm4b:s4+s3], $0x200, $0x38;
	[tilespmem:$0x12140] =	vst v63  }
0xe: {  	[spmem:s7], [sflag:s6] =	dma.local [hbm:s5], $0x400  }
0xf: {  	_ =	swait.ge [sflag:s8], $0x400  }
0x10: {  	[sflag:s8] =	ssyncset.done $0x0  }
0x11: {  	[sflag:s8] =	ssyncadd.s32 $0xFFFFFC00  }
0x12: {  	s9 =	simm.s32 $0x1;
	[bflag:$0x0] =	sbarrier.arrive $0xFFFF  }
0x13: {  	_ =	swait.ge [sflag:s9], $0x200  }
0x14: {  	[sflag:s9] =	ssyncset.done $0x0  }
0x15: {  	s11 =	simm.s32 $0x200;
	s10 =	simm.s32 $0x80;
	[sflag:s9] =	ssyncadd.s32 $0xFFFFFE00  }
0x16: {  	[tilespmem:s11], [sflag:$0x2] =	stream.indirect.gather [spmem:s2], $0x80, s3, s10, $0xb8;
	[tilespmem:$0x12140] =	vst v63  }
0x17: {  	s12 =	simm.s32 $0x4200  }
0x18: {  	[tilespmem:s12], [sflag:$0x2] =	stream.indirect.gather [spmem:s2], $0x80, s10, s10, $0xb8;
	[tilespmem:$0x12140] =	vst v63  }
0x19: {  	s13 =	simm.s32 $0x100;
	s14 =	simm.s32 $0x8200  }
0x1a: {  	[tilespmem:s14], [sflag:$0x2] =	stream.indirect.gather [spmem:s2], $0x80, s13, s10, $0xb8;
	[tilespmem:$0x12140] =	vst v63  }
0x1b: {  	s15 =	simm.s32 $0x180;
	s16 =	simm.s32 $0xC200;
	s17 =	simm.s32 $0x2  }
0x1c: {  	[tilespmem:s16], [sflag:$0x2] =	stream.indirect.gather [spmem:s2], $0x80, s15, s10, $0xb8;
	[tilespmem:$0x12140] =	vst v63  }
0x1d: {  	_ =	swait.ge [sflag:s17], $0x4000  }
0x1e: {  	s19 =	sshll.u32 s19, $0x4;
	[sflag:s17] =	ssyncset.done $0x0  }
0x1f: {  	s18 =	sadd.s32 s18, s19;
	[sflag:s17] =	ssyncadd.s32 $0xFFFFC000  }
0x20: {  	[hbm4b:s18+s3] =	stream.linear.scatter [tilespmem:s11], [sflag:$0x3], $0x4000, $0x38;
	[tilespmem:$0x12140] =	vst v63  }
0x21: {  	_ =	swait.ge [sflag:s17], $0x4000  }
0x22: {  	[sflag:s17] =	ssyncset.done $0x0  }
0x23: {  	s19 =	sadd.s32 $0x800, s18;
	[sflag:s17] =	ssyncadd.s32 $0xFFFFC000  }
0x24: {  	[hbm4b:s19+s3] =	stream.linear.scatter [tilespmem:s12], [sflag:$0x3], $0x4000, $0x38;
	[tilespmem:$0x12140] =	vst v63  }
0x25: {  	_ =	swait.ge [sflag:s17], $0x4000  }
0x26: {  	[sflag:s17] =	ssyncset.done $0x0  }
0x27: {  	s20 =	sadd.s32 $0x1000, s18;
	[sflag:s17] =	ssyncadd.s32 $0xFFFFC000  }
0x28: {  	[hbm4b:s20+s3] =	stream.linear.scatter [tilespmem:s14], [sflag:$0x3], $0x4000, $0x38;
	[tilespmem:$0x12140] =	vst v63  }
0x29: {  	_ =	swait.ge [sflag:s17], $0x4000  }
0x2a: {  	[sflag:s17] =	ssyncset.done $0x0  }
0x2b: {  	s21 =	simm.s32 $0x3;
	s22 =	sadd.s32 $0x1800, s18;
	[sflag:s17] =	ssyncadd.s32 $0xFFFFC000  }
0x2c: {  	[hbm4b:s22+s3] =	stream.linear.scatter [tilespmem:s16], [sflag:$0x3], $0x4000, $0x38;
	[tilespmem:$0x12140] =	vst v63  }
0x2d: {  	_ =	swait.ge [sflag:s21], $0x4000  }
0x2e: {  	s23 =	ssub.s32 $0x2, s23;
	[sflag:s21] =	ssyncset.done $0x0  }
0x2f: {  	s24 =	sshrl.u32 s23, $0x1;
	[sflag:s21] =	ssyncadd.s32 $0xFFFFC000  }
0x30: {  	s23 =	ssub.s32 s23, s24;
	_ =	swait.ge [sflag:s21], $0x4000  }
0x31: {  	s23 =	smax.u32 s23, $0x1;
	[sflag:s21] =	ssyncset.done $0x0  }
0x32: {  	p0 =	sne.s32 s23, $0x1;
	[sflag:s21] =	ssyncadd.s32 $0xFFFFC000  }
.Ltmp0:
0x33: {  	_ =	swait.ge [sflag:s21], $0x4000;
	(pc) =	sbr.rel @!p0 .LBB2_2-.Ltmp0, $4  }
0x34: {  	[sflag:s21] =	ssyncset.done $0x0  }
0x35: {  	[sflag:s21] =	ssyncadd.s32 $0xFFFFC000  }
0x36: {  	_ =	swait.ge [sflag:s21], $0x4000  }
0x37: {  	s23 =	sadd.s32 $0xFFFFFFFF, s23;
	[sflag:s21] =	ssyncset.done $0x0  }
.LBB2_1:
0x38: {  	p0 =	sne.s32 s23, $0x1;
	s23 =	sadd.s32 $0xFFFFFFFF, s23;
	[sflag:s21] =	ssyncadd.s32 $0xFFFFC000  }
0x39: {  	[tilespmem:s3], [sflag:$0x1] =	stream.linear.gather [hbm4b:s4+s3], $0x200, $0x38;
	[tilespmem:$0x12140] =	vst v63  }
0x3a: {  	[spmem:s7], [sflag:s6] =	dma.local [hbm:s5], $0x400  }
0x3b: {  	_ =	swait.ge [sflag:s8], $0x400  }
0x3c: {  	[sflag:s8] =	ssyncset.done $0x0  }
0x3d: {  	[sflag:s8] =	ssyncadd.s32 $0xFFFFFC00  }
0x3e: {  	[bflag:$0x0] =	sbarrier.arrive $0xFFFF  }
0x3f: {  	_ =	swait.ge [sflag:s9], $0x200  }
0x40: {  	[sflag:s9] =	ssyncset.done $0x0  }
0x41: {  	[sflag:s9] =	ssyncadd.s32 $0xFFFFFE00  }
0x42: {  	[tilespmem:s11], [sflag:$0x2] =	stream.indirect.gather [spmem:s2], $0x80, s3, s10, $0xb8;
	[tilespmem:$0x12140] =	vst v63  }
0x43: {  	_ = 	snop  }
0x44: {  	[tilespmem:s12], [sflag:$0x2] =	stream.indirect.gather [spmem:s2], $0x80, s10, s10, $0xb8;
	[tilespmem:$0x12140] =	vst v63  }
0x45: {  	_ = 	snop  }
0x46: {  	[tilespmem:s14], [sflag:$0x2] =	stream.indirect.gather [spmem:s2], $0x80, s13, s10, $0xb8;
	[tilespmem:$0x12140] =	vst v63  }
0x47: {  	_ = 	snop  }
0x48: {  	[tilespmem:s16], [sflag:$0x2] =	stream.indirect.gather [spmem:s2], $0x80, s15, s10, $0xb8;
	[tilespmem:$0x12140] =	vst v63  }
0x49: {  	_ =	swait.ge [sflag:s17], $0x4000  }
0x4a: {  	[sflag:s17] =	ssyncset.done $0x0  }
0x4b: {  	[sflag:s17] =	ssyncadd.s32 $0xFFFFC000  }
0x4c: {  	[hbm4b:s18+s3] =	stream.linear.scatter [tilespmem:s11], [sflag:$0x3], $0x4000, $0x38;
	[tilespmem:$0x12140] =	vst v63  }
0x4d: {  	_ =	swait.ge [sflag:s17], $0x4000  }
0x4e: {  	[sflag:s17] =	ssyncset.done $0x0  }
0x4f: {  	[sflag:s17] =	ssyncadd.s32 $0xFFFFC000  }
0x50: {  	[hbm4b:s19+s3] =	stream.linear.scatter [tilespmem:s12], [sflag:$0x3], $0x4000, $0x38;
	[tilespmem:$0x12140] =	vst v63  }
0x51: {  	_ =	swait.ge [sflag:s17], $0x4000  }
0x52: {  	[sflag:s17] =	ssyncset.done $0x0  }
0x53: {  	[sflag:s17] =	ssyncadd.s32 $0xFFFFC000  }
0x54: {  	[hbm4b:s20+s3] =	stream.linear.scatter [tilespmem:s14], [sflag:$0x3], $0x4000, $0x38;
	[tilespmem:$0x12140] =	vst v63  }
0x55: {  	_ =	swait.ge [sflag:s17], $0x4000  }
0x56: {  	[sflag:s17] =	ssyncset.done $0x0  }
0x57: {  	[sflag:s17] =	ssyncadd.s32 $0xFFFFC000  }
0x58: {  	[hbm4b:s22+s3] =	stream.linear.scatter [tilespmem:s16], [sflag:$0x3], $0x4000, $0x38;
	[tilespmem:$0x12140] =	vst v63  }
0x59: {  	_ =	swait.ge [sflag:s21], $0x4000  }
0x5a: {  	[sflag:s21] =	ssyncset.done $0x0  }
0x5b: {  	[sflag:s21] =	ssyncadd.s32 $0xFFFFC000  }
0x5c: {  	_ =	swait.ge [sflag:s21], $0x4000  }
0x5d: {  	[sflag:s21] =	ssyncset.done $0x0  }
0x5e: {  	[sflag:s21] =	ssyncadd.s32 $0xFFFFC000  }
.Ltmp1:
0x5f: {  	_ =	swait.ge [sflag:s21], $0x4000;
	(pc) =	sbr.rel @p0 .LBB2_1-.Ltmp1, $4  }
0x60: {  	[sflag:s21] =	ssyncset.done $0x0  }
0x61: {  	[sflag:s21] =	ssyncadd.s32 $0xFFFFC000  }
0x62: {  	_ =	swait.ge [sflag:s21], $0x4000  }
0x63: {  	[sflag:s21] =	ssyncset.done $0x0  }
.LBB2_2:
0x64: {  	[sflag:s21] =	ssyncadd.s32 $0xFFFFC000  }
0x65: {  	_ =	sfence.sel $0x180000  }
0x66: {  	[bflag:$0x0] =	sbarrier.arrive $0xFFFF  }
0x67: {  	p0 =	sne.s32 s1, $0x0;
	_ =	strace $0x90000047  }
0x68: {  	s0 =	sadd.s32 @!p0 $0x100000, s0;
	[bflag:$0x2] =	sbarrier.arrive $0xFFFF  }
0x69: {  	[sflag:s0] =	ssyncadd.tile.s32 @!p0 $0x1;
	_ =	shalt  }
.Lfunc_end2:
_tile_overlayer_lowered:
.L_overlay_start_2:
0x6a: {  	(tag) =	ssettag $0x2  }
0x6b: {  	s0 =	rddreg [dreg:$0x0];
	s2 =	stileid.u32  }
0x6c: {  	s1 =	rddreg [dreg:$0x1];
	p0 =	sne.s32 s2, $0x0  }
0x6d: {  	s3 =	rddreg [dreg:$0x2];
	[bflag:$0x3] =	sbarrier.arrive $0xFFFF;
	s2 =	simm.s32 @!p0 $0x1C04  }
0x6e: {  	[timem:s3], [sflag:s2] =	dma.local @!p0 [hbm:s0], s1  }
0x6f: {  	s0 =	simm.s32 @!p0 $0x4  }
0x70: {  	_ =	swait.ge @!p0 [sflag:s0], s1  }
0x71: {  	s1 =	ssub.s32 @!p0 $0x0, s1;
	[sflag:s0] =	ssyncset.done @!p0 $0x0  }
0x72: {  	[sflag:s0] =	ssyncadd.s32 @!p0 s1  }
0x73: {  	[bflag:$0x3] =	sbarrier.arrive $0xFFFF  }
0x74: {  	_ =	shalt  }

</sc_bundles>
